<compile_context>
chip_gen: v7x
topology: tpu7x:2x2x1
jax: 0.10.2.dev20260603
libtpu: 0.0.44.dev20260713+nightly
codegen_flags: <defaults>
</compile_context>

<pallas_src>
import functools

import jax
import jax.numpy as jnp
from jax import lax
from jax.experimental import pallas as pl
from jax.experimental.pallas import tpu as pltpu
from jax.experimental.pallas import tpu_sc as plsc

BATCH = 16384
EMB = 64
EMBP = 128
N_G = 21
N_I = 5
BLK = 8192


@functools.lru_cache(maxsize=None)
def _make_sc_gather(V, D, B, dtype=jnp.float32):
    info = plsc.get_sparse_core_info()
    NC, NS = info.num_cores, info.num_subcores
    NW = NC * NS
    b_per_w = B // NW
    mesh = plsc.VectorSubcoreMesh(core_axis_name="c", subcore_axis_name="s")

    NCHUNK = 4
    CH = b_per_w // NCHUNK

    @functools.partial(
        pl.kernel,
        mesh=mesh,
        compiler_params=pltpu.CompilerParams(use_tc_tiling_on_sc=True),
        out_type=jax.ShapeDtypeStruct((B, D), dtype),
        scratch_types=[
            pltpu.VMEM((b_per_w,), jnp.int32),
            pltpu.VMEM((NCHUNK, CH, D), dtype),
            pltpu.SemaphoreType.DMA,
            pltpu.SemaphoreType.DMA,
        ],
    )
    def gather_k(table_hbm, idx_hbm, out_hbm, idx_v, rows_v, sem0, sem1):
        wid = lax.axis_index("s") * NC + lax.axis_index("c")
        base = wid * b_per_w
        sems = (sem0, sem1)
        pltpu.sync_copy(idx_hbm.at[pl.ds(base, b_per_w)], idx_v)
        cps = [
            pltpu.async_copy(table_hbm.at[idx_v.at[pl.ds(c * CH, CH)]],
                             rows_v.at[c], sems[c % 2])
            for c in range(2)
        ]
        for c in range(NCHUNK):
            cps[c].wait()
            if c + 2 < NCHUNK:
                cps.append(
                    pltpu.async_copy(
                        table_hbm.at[idx_v.at[pl.ds((c + 2) * CH, CH)]],
                        rows_v.at[c + 2], sems[c % 2]))
            pltpu.sync_copy(rows_v.at[c],
                            out_hbm.at[pl.ds(base + c * CH, CH)])

    return gather_k


def _mlp_body(g_ref, i_ref, emb_ref, w1a_ref, w1b_ref, b1_ref, w2_ref, b2_ref,
              o_ref):
    g = g_ref[...].reshape(1, BLK)
    i = i_ref[...].reshape(1, BLK)
    row = lax.broadcasted_iota(jnp.int32, (EMB, BLK), 0)
    ohT = ((row == g) | (row == i)).astype(jnp.float32)
    h = jnp.dot(emb_ref[...], w1a_ref[...], preferred_element_type=jnp.float32)
    h = h + lax.dot_general(ohT, w1b_ref[...], (((0,), (0,)), ((), ())),
                            preferred_element_type=jnp.float32)
    h = jnp.maximum(h + b1_ref[...], 0.0)
    o_ref[...] = (lax.dot_general(w2_ref[...], h, (((0,), (1,)), ((), ())),
                                  preferred_element_type=jnp.float32)
                  + b2_ref[...])


def _mlp(g2, i2, emb, W1a, W1b, b1r, W2, b2r):
    grid = BATCH // BLK
    full = lambda j: (0, 0)
    return pl.pallas_call(
        _mlp_body,
        grid=(grid,),
        in_specs=[
            pl.BlockSpec((1, 1, BLK), lambda j: (j, 0, 0)),
            pl.BlockSpec((1, 1, BLK), lambda j: (j, 0, 0)),
            pl.BlockSpec((BLK, EMBP), lambda j: (j, 0)),
            pl.BlockSpec((EMBP, EMB), full),
            pl.BlockSpec((EMB, EMB), full),
            pl.BlockSpec((1, EMB), full),
            pl.BlockSpec((EMB, EMB), full),
            pl.BlockSpec((EMB, 1), full),
        ],
        out_specs=pl.BlockSpec((EMB, BLK), lambda j: (0, j)),
        out_shape=jax.ShapeDtypeStruct((EMB, BATCH), jnp.float32),
    )(g2, i2, emb, W1a, W1b, b1r, W2, b2r)


def kernel(article_id, garment_group_name, index_group_name, table, W1, b1,
           W2, b2):
    aid = article_id.astype(jnp.int32)
    v_pad = (-table.shape[0]) % 8
    table_p = jnp.pad(table, ((0, v_pad), (0, EMBP - EMB)))
    emb = _make_sc_gather(table_p.shape[0], EMBP, BATCH)(table_p, aid)
    grid = BATCH // BLK
    g0 = garment_group_name.astype(jnp.int32)
    g2 = jnp.where(g0 >= N_G, -1, g0).reshape(grid, 1, BLK)
    i2 = (index_group_name.astype(jnp.int32) + N_G).reshape(grid, 1, BLK)
    W1a = jnp.pad(W1[:EMB], ((0, EMBP - EMB), (0, 0)))
    W1b = jnp.pad(W1[EMB:], ((0, EMB - (N_G + N_I)), (0, 0)))
    out_t = _mlp(g2, i2, emb, W1a, W1b, b1.reshape(1, EMB), W2,
                 b2.reshape(EMB, 1))
    return out_t.T

# --- scband reference (transcript-rebuilt; emitter-appended) ---
"""Pipeline reference for scband-item-tower-43911745634877 (READ-ONLY COPY).

The authoritative reference and input builder live on the scoring server;
editing this copy changes nothing except your own understanding.
"""

import jax, jax.numpy as jnp
import numpy as np

VOCAB = 1000
N_GARMENT = 21
N_INDEX = 5
EMB_DIM = 64
BATCH = 16384

def setup_inputs(seed: int = 0) -> dict:
    key = jax.random.key(seed)
    ks = jax.random.split(key, 8)
    # StringLookup outputs are modeled as pre-tokenized integer ids:
    # item ids in [0, VOCAB] (0 = OOV), group ids in [0, n_groups] (0 = OOV)
    article_id = jax.random.randint(ks[0], (BATCH,), 0, VOCAB + 1)
    garment_group_name = jax.random.randint(ks[1], (BATCH,), 0, N_GARMENT + 1)
    index_group_name = jax.random.randint(ks[2], (BATCH,), 0, N_INDEX + 1)
    # learned parameters
    table = jax.random.normal(ks[3], (VOCAB + 1, EMB_DIM), dtype=jnp.float32) * 0.05
    W1 = jax.random.normal(ks[4], (EMB_DIM + N_GARMENT + N_INDEX, EMB_DIM), dtype=jnp.float32) * 0.05
    b1 = jnp.zeros((EMB_DIM,), dtype=jnp.float32)
    W2 = jax.random.normal(ks[5], (EMB_DIM, EMB_DIM), dtype=jnp.float32) * 0.05
    b2 = jnp.zeros((EMB_DIM,), dtype=jnp.float32)
    return {'article_id': article_id, 'garment_group_name': garment_group_name,
            'index_group_name': index_group_name, 'table': table,
            'W1': W1, 'b1': b1, 'W2': W2, 'b2': b2}

def reference(article_id, garment_group_name, index_group_name, table, W1, b1, W2, b2):
    # Embedding(len(item_ids)+1, emb_dim) lookup  -> SparseCore gather
    item_emb = jnp.take(table, article_id, axis=0)
    # tf.one_hot(tokenized, depth=len(groups)); index == depth maps to the zero row,
    # matching tf.one_hot behavior for the extra OOV token
    garment_group_embedding = jax.nn.one_hot(garment_group_name, N_GARMENT, dtype=jnp.float32)
    index_group_embedding = jax.nn.one_hot(index_group_name, N_INDEX, dtype=jnp.float32)
    concatenated = jnp.concatenate([item_emb, garment_group_embedding, index_group_embedding], axis=1)
    h = jax.nn.relu(jnp.dot(concatenated, W1) + b1)
    out = jnp.dot(h, W2) + b2
    return out

if __name__ == "__main__":
    import jax
    _d = setup_inputs()
    print(jax.jit(kernel)(*tuple(_d.values())))

</pallas_src>

<mosaic_0001>
#map = affine_map<(d0, d1) -> (0, 0)>
#map1 = affine_map<(d0, d1) -> (0)>
module attributes {stable_mosaic.version = 14 : i64} {
  func.func @gather_k(%arg0: i32, %arg1: i32, %arg2: memref<1008x128xf32, #tpu.memory_space<hbm>>, %arg3: memref<16384xi32, #tpu.memory_space<hbm>>, %arg4: memref<16384x128xf32, #tpu.memory_space<hbm>>, %arg5: memref<512xi32, #tpu.memory_space<vmem>>, %arg6: memref<4x128x128xf32, #tpu.memory_space<vmem>>, %arg7: memref<!tpu.dma_semaphore, #tpu.memory_space<semaphore_mem>>, %arg8: memref<!tpu.dma_semaphore, #tpu.memory_space<semaphore_mem>>) attributes {dimension_semantics = [#tpu.dimension_semantics<core_parallel>, #tpu.dimension_semantics<subcore_parallel>], iteration_bounds = array<i64: 2, 16>, scalar_prefetch = 0 : i64, scratch_operands = 4 : i64, tpu.core_type = #tpu.core_type<sc_vector_subcore>, window_params = [{transform_indices = #map}, {transform_indices = #map1}, {transform_indices = #map}]} {
    %mul3A = arith.constant 2 : i32
    %mul3A_0 = arith.muli %arg1, %mul3A : i32
    %add3A = arith.addi %mul3A_0, %arg0 : i32
    %mul3A_1 = arith.constant 512 : i32
    %mul3A_2 = arith.muli %add3A, %mul3A_1 : i32
    "tpu.region"() ({
      %run_scoped3A_92 = tpu.sem_alloc : memref<!tpu.dma_semaphore, #tpu.memory_space<semaphore_mem>>
      %dma_start3A_93 = tpu.memref_slice %arg3[%mul3A_2] : memref<16384xi32, #tpu.memory_space<hbm>> -> memref<512xi32, #tpu.memory_space<hbm>>
      %dma_start3A_94 = tpu.memref_slice %arg3[%mul3A_2] : memref<16384xi32, #tpu.memory_space<hbm>> -> memref<512xi32, #tpu.memory_space<hbm>>
      tpu.enqueue_dma source(%dma_start3A_94 : memref<512xi32, #tpu.memory_space<hbm>>) target(%arg5 : memref<512xi32, #tpu.memory_space<vmem>>) target_semaphore(%run_scoped3A_92 : memref<!tpu.dma_semaphore, #tpu.memory_space<semaphore_mem>>)
      %dma_wait3A_95 = tpu.memref_slice %arg3[%mul3A_2] : memref<16384xi32, #tpu.memory_space<hbm>> -> memref<512xi32, #tpu.memory_space<hbm>>
      %dma_wait3A_96 = tpu.memref_slice %arg3[%mul3A_2] : memref<16384xi32, #tpu.memory_space<hbm>> -> memref<512xi32, #tpu.memory_space<hbm>>
      tpu.wait_dma2 semaphore(%run_scoped3A_92 : memref<!tpu.dma_semaphore, #tpu.memory_space<semaphore_mem>>) src(%dma_wait3A_96 : memref<512xi32, #tpu.memory_space<hbm>>) dst(%arg5 : memref<512xi32, #tpu.memory_space<vmem>>)
      tpu.yield
    }) : () -> ()
    %dma_start3A = arith.constant 0 : i32
    %dma_start3A_3 = arith.constant 0 : i32
    %dma_start3A_4 = arith.constant 0 : i32
    %dma_start3A_5 = tpu.memref_slice %arg6[%dma_start3A, %dma_start3A_3, %dma_start3A_4] : memref<4x128x128xf32, #tpu.memory_space<vmem>> -> memref<1x128x128xf32, #tpu.memory_space<vmem>>
    %dma_start3A_6 = tpu.memref_squeeze %dma_start3A_5 : memref<1x128x128xf32, #tpu.memory_space<vmem>> -> memref<128x128xf32, #tpu.memory_space<vmem>>
    %dma_start3A_7 = arith.constant 0 : i32
    %dma_start3A_8 = tpu.memref_slice %arg5[%dma_start3A_7] : memref<512xi32, #tpu.memory_space<vmem>> -> memref<128xi32, #tpu.memory_space<vmem>>
    %dma_start3A_9 = arith.constant 0 : i32
    %dma_start3A_10 = arith.constant 0 : i32
    %dma_start3A_11 = tpu.memref_slice %arg2[%dma_start3A_9, %dma_start3A_10] : memref<1008x128xf32, #tpu.memory_space<hbm>> -> memref<1008x128xf32, #tpu.memory_space<hbm>>
    tpu.enqueue_indirect_dma source(%dma_start3A_11 : memref<1008x128xf32, #tpu.memory_space<hbm>>) target(%dma_start3A_6 : memref<128x128xf32, #tpu.memory_space<vmem>>) offsets(%dma_start3A_8 : memref<128xi32, #tpu.memory_space<vmem>>) semaphore(%arg7 : memref<!tpu.dma_semaphore, #tpu.memory_space<semaphore_mem>>)
    %dma_start3A_12 = arith.constant 1 : i32
    %dma_start3A_13 = arith.constant 0 : i32
    %dma_start3A_14 = arith.constant 0 : i32
    %dma_start3A_15 = tpu.memref_slice %arg6[%dma_start3A_12, %dma_start3A_13, %dma_start3A_14] : memref<4x128x128xf32, #tpu.memory_space<vmem>> -> memref<1x128x128xf32, #tpu.memory_space<vmem>>
    %dma_start3A_16 = tpu.memref_squeeze %dma_start3A_15 : memref<1x128x128xf32, #tpu.memory_space<vmem>> -> memref<128x128xf32, #tpu.memory_space<vmem>>
    %dma_start3A_17 = arith.constant 128 : i32
    %dma_start3A_18 = tpu.memref_slice %arg5[%dma_start3A_17] : memref<512xi32, #tpu.memory_space<vmem>> -> memref<128xi32, #tpu.memory_space<vmem>>
    %dma_start3A_19 = arith.constant 0 : i32
    %dma_start3A_20 = arith.constant 0 : i32
    %dma_start3A_21 = tpu.memref_slice %arg2[%dma_start3A_19, %dma_start3A_20] : memref<1008x128xf32, #tpu.memory_space<hbm>> -> memref<1008x128xf32, #tpu.memory_space<hbm>>
    tpu.enqueue_indirect_dma source(%dma_start3A_21 : memref<1008x128xf32, #tpu.memory_space<hbm>>) target(%dma_start3A_16 : memref<128x128xf32, #tpu.memory_space<vmem>>) offsets(%dma_start3A_18 : memref<128xi32, #tpu.memory_space<vmem>>) semaphore(%arg8 : memref<!tpu.dma_semaphore, #tpu.memory_space<semaphore_mem>>)
    %dma_wait3A = arith.constant 0 : i32
    %dma_wait3A_22 = arith.constant 0 : i32
    %dma_wait3A_23 = arith.constant 0 : i32
    %dma_wait3A_24 = tpu.memref_slice %arg6[%dma_wait3A, %dma_wait3A_22, %dma_wait3A_23] : memref<4x128x128xf32, #tpu.memory_space<vmem>> -> memref<1x128x128xf32, #tpu.memory_space<vmem>>
    %dma_wait3A_25 = tpu.memref_squeeze %dma_wait3A_24 : memref<1x128x128xf32, #tpu.memory_space<vmem>> -> memref<128x128xf32, #tpu.memory_space<vmem>>
    %dma_wait3A_26 = arith.constant 0 : i32
    %dma_wait3A_27 = tpu.memref_slice %arg5[%dma_wait3A_26] : memref<512xi32, #tpu.memory_space<vmem>> -> memref<128xi32, #tpu.memory_space<vmem>>
    %dma_wait3A_28 = arith.constant 0 : i32
    %dma_wait3A_29 = arith.constant 0 : i32
    %dma_wait3A_30 = tpu.memref_slice %arg2[%dma_wait3A_28, %dma_wait3A_29] : memref<1008x128xf32, #tpu.memory_space<hbm>> -> memref<1008x128xf32, #tpu.memory_space<hbm>>
    tpu.wait_indirect_dma semaphore(%arg7 : memref<!tpu.dma_semaphore, #tpu.memory_space<semaphore_mem>>) src(%dma_wait3A_30 : memref<1008x128xf32, #tpu.memory_space<hbm>>) dst(%dma_wait3A_25 : memref<128x128xf32, #tpu.memory_space<vmem>>)
    %dma_start3A_31 = arith.constant 2 : i32
    %dma_start3A_32 = arith.constant 0 : i32
    %dma_start3A_33 = arith.constant 0 : i32
    %dma_start3A_34 = tpu.memref_slice %arg6[%dma_start3A_31, %dma_start3A_32, %dma_start3A_33] : memref<4x128x128xf32, #tpu.memory_space<vmem>> -> memref<1x128x128xf32, #tpu.memory_space<vmem>>
    %dma_start3A_35 = tpu.memref_squeeze %dma_start3A_34 : memref<1x128x128xf32, #tpu.memory_space<vmem>> -> memref<128x128xf32, #tpu.memory_space<vmem>>
    %dma_start3A_36 = arith.constant 256 : i32
    %dma_start3A_37 = tpu.memref_slice %arg5[%dma_start3A_36] : memref<512xi32, #tpu.memory_space<vmem>> -> memref<128xi32, #tpu.memory_space<vmem>>
    %dma_start3A_38 = arith.constant 0 : i32
    %dma_start3A_39 = arith.constant 0 : i32
    %dma_start3A_40 = tpu.memref_slice %arg2[%dma_start3A_38, %dma_start3A_39] : memref<1008x128xf32, #tpu.memory_space<hbm>> -> memref<1008x128xf32, #tpu.memory_space<hbm>>
    tpu.enqueue_indirect_dma source(%dma_start3A_40 : memref<1008x128xf32, #tpu.memory_space<hbm>>) target(%dma_start3A_35 : memref<128x128xf32, #tpu.memory_space<vmem>>) offsets(%dma_start3A_37 : memref<128xi32, #tpu.memory_space<vmem>>) semaphore(%arg7 : memref<!tpu.dma_semaphore, #tpu.memory_space<semaphore_mem>>)
    %add3A_41 = arith.constant 0 : i32
    %add3A_42 = arith.addi %mul3A_2, %add3A_41 : i32
    %run_scoped3A = arith.constant 0 : i32
    "tpu.region"() ({
      %run_scoped3A_92 = tpu.sem_alloc : memref<!tpu.dma_semaphore, #tpu.memory_space<semaphore_mem>>
      %dma_start3A_93 = arith.constant 0 : i32
      %dma_start3A_94 = arith.constant 0 : i32
      %dma_start3A_95 = tpu.memref_slice %arg6[%run_scoped3A, %dma_start3A_93, %dma_start3A_94] : memref<4x128x128xf32, #tpu.memory_space<vmem>> -> memref<1x128x128xf32, #tpu.memory_space<vmem>>
      %dma_start3A_96 = tpu.memref_squeeze %dma_start3A_95 : memref<1x128x128xf32, #tpu.memory_space<vmem>> -> memref<128x128xf32, #tpu.memory_space<vmem>>
      %dma_start3A_97 = arith.constant 0 : i32
      %dma_start3A_98 = tpu.memref_slice %arg4[%add3A_42, %dma_start3A_97] : memref<16384x128xf32, #tpu.memory_space<hbm>> -> memref<128x128xf32, #tpu.memory_space<hbm>>
      %dma_start3A_99 = arith.constant 0 : i32
      %dma_start3A_100 = tpu.memref_slice %arg4[%add3A_42, %dma_start3A_99] : memref<16384x128xf32, #tpu.memory_space<hbm>> -> memref<128x128xf32, #tpu.memory_space<hbm>>
      %dma_start3A_101 = arith.constant 0 : i32
      %dma_start3A_102 = arith.constant 0 : i32
      %dma_start3A_103 = tpu.memref_slice %arg6[%run_scoped3A, %dma_start3A_101, %dma_start3A_102] : memref<4x128x128xf32, #tpu.memory_space<vmem>> -> memref<1x128x128xf32, #tpu.memory_space<vmem>>
      %dma_start3A_104 = tpu.memref_squeeze %dma_start3A_103 : memref<1x128x128xf32, #tpu.memory_space<vmem>> -> memref<128x128xf32, #tpu.memory_space<vmem>>
      tpu.enqueue_dma source(%dma_start3A_104 : memref<128x128xf32, #tpu.memory_space<vmem>>) target(%dma_start3A_100 : memref<128x128xf32, #tpu.memory_space<hbm>>) target_semaphore(%run_scoped3A_92 : memref<!tpu.dma_semaphore, #tpu.memory_space<semaphore_mem>>)
      %dma_wait3A_105 = arith.constant 0 : i32
      %dma_wait3A_106 = arith.constant 0 : i32
      %dma_wait3A_107 = tpu.memref_slice %arg6[%run_scoped3A, %dma_wait3A_105, %dma_wait3A_106] : memref<4x128x128xf32, #tpu.memory_space<vmem>> -> memref<1x128x128xf32, #tpu.memory_space<vmem>>
      %dma_wait3A_108 = tpu.memref_squeeze %dma_wait3A_107 : memref<1x128x128xf32, #tpu.memory_space<vmem>> -> memref<128x128xf32, #tpu.memory_space<vmem>>
      %dma_wait3A_109 = arith.constant 0 : i32
      %dma_wait3A_110 = tpu.memref_slice %arg4[%add3A_42, %dma_wait3A_109] : memref<16384x128xf32, #tpu.memory_space<hbm>> -> memref<128x128xf32, #tpu.memory_space<hbm>>
      %dma_wait3A_111 = arith.constant 0 : i32
      %dma_wait3A_112 = tpu.memref_slice %arg4[%add3A_42, %dma_wait3A_111] : memref<16384x128xf32, #tpu.memory_space<hbm>> -> memref<128x128xf32, #tpu.memory_space<hbm>>
      %dma_wait3A_113 = arith.constant 0 : i32
      %dma_wait3A_114 = arith.constant 0 : i32
      %dma_wait3A_115 = tpu.memref_slice %arg6[%run_scoped3A, %dma_wait3A_113, %dma_wait3A_114] : memref<4x128x128xf32, #tpu.memory_space<vmem>> -> memref<1x128x128xf32, #tpu.memory_space<vmem>>
      %dma_wait3A_116 = tpu.memref_squeeze %dma_wait3A_115 : memref<1x128x128xf32, #tpu.memory_space<vmem>> -> memref<128x128xf32, #tpu.memory_space<vmem>>
      tpu.wait_dma2 semaphore(%run_scoped3A_92 : memref<!tpu.dma_semaphore, #tpu.memory_space<semaphore_mem>>) src(%dma_wait3A_116 : memref<128x128xf32, #tpu.memory_space<vmem>>) dst(%dma_wait3A_112 : memref<128x128xf32, #tpu.memory_space<hbm>>)
      tpu.yield
    }) : () -> ()
    %dma_wait3A_43 = arith.constant 1 : i32
    %dma_wait3A_44 = arith.constant 0 : i32
    %dma_wait3A_45 = arith.constant 0 : i32
    %dma_wait3A_46 = tpu.memref_slice %arg6[%dma_wait3A_43, %dma_wait3A_44, %dma_wait3A_45] : memref<4x128x128xf32, #tpu.memory_space<vmem>> -> memref<1x128x128xf32, #tpu.memory_space<vmem>>
    %dma_wait3A_47 = tpu.memref_squeeze %dma_wait3A_46 : memref<1x128x128xf32, #tpu.memory_space<vmem>> -> memref<128x128xf32, #tpu.memory_space<vmem>>
    %dma_wait3A_48 = arith.constant 128 : i32
    %dma_wait3A_49 = tpu.memref_slice %arg5[%dma_wait3A_48] : memref<512xi32, #tpu.memory_space<vmem>> -> memref<128xi32, #tpu.memory_space<vmem>>
    %dma_wait3A_50 = arith.constant 0 : i32
    %dma_wait3A_51 = arith.constant 0 : i32
    %dma_wait3A_52 = tpu.memref_slice %arg2[%dma_wait3A_50, %dma_wait3A_51] : memref<1008x128xf32, #tpu.memory_space<hbm>> -> memref<1008x128xf32, #tpu.memory_space<hbm>>
    tpu.wait_indirect_dma semaphore(%arg8 : memref<!tpu.dma_semaphore, #tpu.memory_space<semaphore_mem>>) src(%dma_wait3A_52 : memref<1008x128xf32, #tpu.memory_space<hbm>>) dst(%dma_wait3A_47 : memref<128x128xf32, #tpu.memory_space<vmem>>)
    %dma_start3A_53 = arith.constant 3 : i32
    %dma_start3A_54 = arith.constant 0 : i32
    %dma_start3A_55 = arith.constant 0 : i32
    %dma_start3A_56 = tpu.memref_slice %arg6[%dma_start3A_53, %dma_start3A_54, %dma_start3A_55] : memref<4x128x128xf32, #tpu.memory_space<vmem>> -> memref<1x128x128xf32, #tpu.memory_space<vmem>>
    %dma_start3A_57 = tpu.memref_squeeze %dma_start3A_56 : memref<1x128x128xf32, #tpu.memory_space<vmem>> -> memref<128x128xf32, #tpu.memory_space<vmem>>
    %dma_start3A_58 = arith.constant 384 : i32
    %dma_start3A_59 = tpu.memref_slice %arg5[%dma_start3A_58] : memref<512xi32, #tpu.memory_space<vmem>> -> memref<128xi32, #tpu.memory_space<vmem>>
    %dma_start3A_60 = arith.constant 0 : i32
    %dma_start3A_61 = arith.constant 0 : i32
    %dma_start3A_62 = tpu.memref_slice %arg2[%dma_start3A_60, %dma_start3A_61] : memref<1008x128xf32, #tpu.memory_space<hbm>> -> memref<1008x128xf32, #tpu.memory_space<hbm>>
    tpu.enqueue_indirect_dma source(%dma_start3A_62 : memref<1008x128xf32, #tpu.memory_space<hbm>>) target(%dma_start3A_57 : memref<128x128xf32, #tpu.memory_space<vmem>>) offsets(%dma_start3A_59 : memref<128xi32, #tpu.memory_space<vmem>>) semaphore(%arg8 : memref<!tpu.dma_semaphore, #tpu.memory_space<semaphore_mem>>)
    %add3A_63 = arith.constant 128 : i32
    %add3A_64 = arith.addi %mul3A_2, %add3A_63 : i32
    %run_scoped3A_65 = arith.constant 1 : i32
    "tpu.region"() ({
      %run_scoped3A_92 = tpu.sem_alloc : memref<!tpu.dma_semaphore, #tpu.memory_space<semaphore_mem>>
      %dma_start3A_93 = arith.constant 0 : i32
      %dma_start3A_94 = arith.constant 0 : i32
      %dma_start3A_95 = tpu.memref_slice %arg6[%run_scoped3A_65, %dma_start3A_93, %dma_start3A_94] : memref<4x128x128xf32, #tpu.memory_space<vmem>> -> memref<1x128x128xf32, #tpu.memory_space<vmem>>
      %dma_start3A_96 = tpu.memref_squeeze %dma_start3A_95 : memref<1x128x128xf32, #tpu.memory_space<vmem>> -> memref<128x128xf32, #tpu.memory_space<vmem>>
      %dma_start3A_97 = arith.constant 0 : i32
      %dma_start3A_98 = tpu.memref_slice %arg4[%add3A_64, %dma_start3A_97] : memref<16384x128xf32, #tpu.memory_space<hbm>> -> memref<128x128xf32, #tpu.memory_space<hbm>>
      %dma_start3A_99 = arith.constant 0 : i32
      %dma_start3A_100 = tpu.memref_slice %arg4[%add3A_64, %dma_start3A_99] : memref<16384x128xf32, #tpu.memory_space<hbm>> -> memref<128x128xf32, #tpu.memory_space<hbm>>
      %dma_start3A_101 = arith.constant 0 : i32
      %dma_start3A_102 = arith.constant 0 : i32
      %dma_start3A_103 = tpu.memref_slice %arg6[%run_scoped3A_65, %dma_start3A_101, %dma_start3A_102] : memref<4x128x128xf32, #tpu.memory_space<vmem>> -> memref<1x128x128xf32, #tpu.memory_space<vmem>>
      %dma_start3A_104 = tpu.memref_squeeze %dma_start3A_103 : memref<1x128x128xf32, #tpu.memory_space<vmem>> -> memref<128x128xf32, #tpu.memory_space<vmem>>
      tpu.enqueue_dma source(%dma_start3A_104 : memref<128x128xf32, #tpu.memory_space<vmem>>) target(%dma_start3A_100 : memref<128x128xf32, #tpu.memory_space<hbm>>) target_semaphore(%run_scoped3A_92 : memref<!tpu.dma_semaphore, #tpu.memory_space<semaphore_mem>>)
      %dma_wait3A_105 = arith.constant 0 : i32
      %dma_wait3A_106 = arith.constant 0 : i32
      %dma_wait3A_107 = tpu.memref_slice %arg6[%run_scoped3A_65, %dma_wait3A_105, %dma_wait3A_106] : memref<4x128x128xf32, #tpu.memory_space<vmem>> -> memref<1x128x128xf32, #tpu.memory_space<vmem>>
      %dma_wait3A_108 = tpu.memref_squeeze %dma_wait3A_107 : memref<1x128x128xf32, #tpu.memory_space<vmem>> -> memref<128x128xf32, #tpu.memory_space<vmem>>
      %dma_wait3A_109 = arith.constant 0 : i32
      %dma_wait3A_110 = tpu.memref_slice %arg4[%add3A_64, %dma_wait3A_109] : memref<16384x128xf32, #tpu.memory_space<hbm>> -> memref<128x128xf32, #tpu.memory_space<hbm>>
      %dma_wait3A_111 = arith.constant 0 : i32
      %dma_wait3A_112 = tpu.memref_slice %arg4[%add3A_64, %dma_wait3A_111] : memref<16384x128xf32, #tpu.memory_space<hbm>> -> memref<128x128xf32, #tpu.memory_space<hbm>>
      %dma_wait3A_113 = arith.constant 0 : i32
      %dma_wait3A_114 = arith.constant 0 : i32
      %dma_wait3A_115 = tpu.memref_slice %arg6[%run_scoped3A_65, %dma_wait3A_113, %dma_wait3A_114] : memref<4x128x128xf32, #tpu.memory_space<vmem>> -> memref<1x128x128xf32, #tpu.memory_space<vmem>>
      %dma_wait3A_116 = tpu.memref_squeeze %dma_wait3A_115 : memref<1x128x128xf32, #tpu.memory_space<vmem>> -> memref<128x128xf32, #tpu.memory_space<vmem>>
      tpu.wait_dma2 semaphore(%run_scoped3A_92 : memref<!tpu.dma_semaphore, #tpu.memory_space<semaphore_mem>>) src(%dma_wait3A_116 : memref<128x128xf32, #tpu.memory_space<vmem>>) dst(%dma_wait3A_112 : memref<128x128xf32, #tpu.memory_space<hbm>>)
      tpu.yield
    }) : () -> ()
    %dma_wait3A_66 = arith.constant 2 : i32
    %dma_wait3A_67 = arith.constant 0 : i32
    %dma_wait3A_68 = arith.constant 0 : i32
    %dma_wait3A_69 = tpu.memref_slice %arg6[%dma_wait3A_66, %dma_wait3A_67, %dma_wait3A_68] : memref<4x128x128xf32, #tpu.memory_space<vmem>> -> memref<1x128x128xf32, #tpu.memory_space<vmem>>
    %dma_wait3A_70 = tpu.memref_squeeze %dma_wait3A_69 : memref<1x128x128xf32, #tpu.memory_space<vmem>> -> memref<128x128xf32, #tpu.memory_space<vmem>>
    %dma_wait3A_71 = arith.constant 256 : i32
    %dma_wait3A_72 = tpu.memref_slice %arg5[%dma_wait3A_71] : memref<512xi32, #tpu.memory_space<vmem>> -> memref<128xi32, #tpu.memory_space<vmem>>
    %dma_wait3A_73 = arith.constant 0 : i32
    %dma_wait3A_74 = arith.constant 0 : i32
    %dma_wait3A_75 = tpu.memref_slice %arg2[%dma_wait3A_73, %dma_wait3A_74] : memref<1008x128xf32, #tpu.memory_space<hbm>> -> memref<1008x128xf32, #tpu.memory_space<hbm>>
    tpu.wait_indirect_dma semaphore(%arg7 : memref<!tpu.dma_semaphore, #tpu.memory_space<semaphore_mem>>) src(%dma_wait3A_75 : memref<1008x128xf32, #tpu.memory_space<hbm>>) dst(%dma_wait3A_70 : memref<128x128xf32, #tpu.memory_space<vmem>>)
    %add3A_76 = arith.constant 256 : i32
    %add3A_77 = arith.addi %mul3A_2, %add3A_76 : i32
    %run_scoped3A_78 = arith.constant 2 : i32
    "tpu.region"() ({
      %run_scoped3A_92 = tpu.sem_alloc : memref<!tpu.dma_semaphore, #tpu.memory_space<semaphore_mem>>
      %dma_start3A_93 = arith.constant 0 : i32
      %dma_start3A_94 = arith.constant 0 : i32
      %dma_start3A_95 = tpu.memref_slice %arg6[%run_scoped3A_78, %dma_start3A_93, %dma_start3A_94] : memref<4x128x128xf32, #tpu.memory_space<vmem>> -> memref<1x128x128xf32, #tpu.memory_space<vmem>>
      %dma_start3A_96 = tpu.memref_squeeze %dma_start3A_95 : memref<1x128x128xf32, #tpu.memory_space<vmem>> -> memref<128x128xf32, #tpu.memory_space<vmem>>
      %dma_start3A_97 = arith.constant 0 : i32
      %dma_start3A_98 = tpu.memref_slice %arg4[%add3A_77, %dma_start3A_97] : memref<16384x128xf32, #tpu.memory_space<hbm>> -> memref<128x128xf32, #tpu.memory_space<hbm>>
      %dma_start3A_99 = arith.constant 0 : i32
      %dma_start3A_100 = tpu.memref_slice %arg4[%add3A_77, %dma_start3A_99] : memref<16384x128xf32, #tpu.memory_space<hbm>> -> memref<128x128xf32, #tpu.memory_space<hbm>>
      %dma_start3A_101 = arith.constant 0 : i32
      %dma_start3A_102 = arith.constant 0 : i32
      %dma_start3A_103 = tpu.memref_slice %arg6[%run_scoped3A_78, %dma_start3A_101, %dma_start3A_102] : memref<4x128x128xf32, #tpu.memory_space<vmem>> -> memref<1x128x128xf32, #tpu.memory_space<vmem>>
      %dma_start3A_104 = tpu.memref_squeeze %dma_start3A_103 : memref<1x128x128xf32, #tpu.memory_space<vmem>> -> memref<128x128xf32, #tpu.memory_space<vmem>>
      tpu.enqueue_dma source(%dma_start3A_104 : memref<128x128xf32, #tpu.memory_space<vmem>>) target(%dma_start3A_100 : memref<128x128xf32, #tpu.memory_space<hbm>>) target_semaphore(%run_scoped3A_92 : memref<!tpu.dma_semaphore, #tpu.memory_space<semaphore_mem>>)
      %dma_wait3A_105 = arith.constant 0 : i32
      %dma_wait3A_106 = arith.constant 0 : i32
      %dma_wait3A_107 = tpu.memref_slice %arg6[%run_scoped3A_78, %dma_wait3A_105, %dma_wait3A_106] : memref<4x128x128xf32, #tpu.memory_space<vmem>> -> memref<1x128x128xf32, #tpu.memory_space<vmem>>
      %dma_wait3A_108 = tpu.memref_squeeze %dma_wait3A_107 : memref<1x128x128xf32, #tpu.memory_space<vmem>> -> memref<128x128xf32, #tpu.memory_space<vmem>>
      %dma_wait3A_109 = arith.constant 0 : i32
      %dma_wait3A_110 = tpu.memref_slice %arg4[%add3A_77, %dma_wait3A_109] : memref<16384x128xf32, #tpu.memory_space<hbm>> -> memref<128x128xf32, #tpu.memory_space<hbm>>
      %dma_wait3A_111 = arith.constant 0 : i32
      %dma_wait3A_112 = tpu.memref_slice %arg4[%add3A_77, %dma_wait3A_111] : memref<16384x128xf32, #tpu.memory_space<hbm>> -> memref<128x128xf32, #tpu.memory_space<hbm>>
      %dma_wait3A_113 = arith.constant 0 : i32
      %dma_wait3A_114 = arith.constant 0 : i32
      %dma_wait3A_115 = tpu.memref_slice %arg6[%run_scoped3A_78, %dma_wait3A_113, %dma_wait3A_114] : memref<4x128x128xf32, #tpu.memory_space<vmem>> -> memref<1x128x128xf32, #tpu.memory_space<vmem>>
      %dma_wait3A_116 = tpu.memref_squeeze %dma_wait3A_115 : memref<1x128x128xf32, #tpu.memory_space<vmem>> -> memref<128x128xf32, #tpu.memory_space<vmem>>
      tpu.wait_dma2 semaphore(%run_scoped3A_92 : memref<!tpu.dma_semaphore, #tpu.memory_space<semaphore_mem>>) src(%dma_wait3A_116 : memref<128x128xf32, #tpu.memory_space<vmem>>) dst(%dma_wait3A_112 : memref<128x128xf32, #tpu.memory_space<hbm>>)
      tpu.yield
    }) : () -> ()
    %dma_wait3A_79 = arith.constant 3 : i32
    %dma_wait3A_80 = arith.constant 0 : i32
    %dma_wait3A_81 = arith.constant 0 : i32
    %dma_wait3A_82 = tpu.memref_slice %arg6[%dma_wait3A_79, %dma_wait3A_80, %dma_wait3A_81] : memref<4x128x128xf32, #tpu.memory_space<vmem>> -> memref<1x128x128xf32, #tpu.memory_space<vmem>>
    %dma_wait3A_83 = tpu.memref_squeeze %dma_wait3A_82 : memref<1x128x128xf32, #tpu.memory_space<vmem>> -> memref<128x128xf32, #tpu.memory_space<vmem>>
    %dma_wait3A_84 = arith.constant 384 : i32
    %dma_wait3A_85 = tpu.memref_slice %arg5[%dma_wait3A_84] : memref<512xi32, #tpu.memory_space<vmem>> -> memref<128xi32, #tpu.memory_space<vmem>>
    %dma_wait3A_86 = arith.constant 0 : i32
    %dma_wait3A_87 = arith.constant 0 : i32
    %dma_wait3A_88 = tpu.memref_slice %arg2[%dma_wait3A_86, %dma_wait3A_87] : memref<1008x128xf32, #tpu.memory_space<hbm>> -> memref<1008x128xf32, #tpu.memory_space<hbm>>
    tpu.wait_indirect_dma semaphore(%arg8 : memref<!tpu.dma_semaphore, #tpu.memory_space<semaphore_mem>>) src(%dma_wait3A_88 : memref<1008x128xf32, #tpu.memory_space<hbm>>) dst(%dma_wait3A_83 : memref<128x128xf32, #tpu.memory_space<vmem>>)
    %add3A_89 = arith.constant 384 : i32
    %add3A_90 = arith.addi %mul3A_2, %add3A_89 : i32
    %run_scoped3A_91 = arith.constant 3 : i32
    "tpu.region"() ({
      %run_scoped3A_92 = tpu.sem_alloc : memref<!tpu.dma_semaphore, #tpu.memory_space<semaphore_mem>>
      %dma_start3A_93 = arith.constant 0 : i32
      %dma_start3A_94 = arith.constant 0 : i32
      %dma_start3A_95 = tpu.memref_slice %arg6[%run_scoped3A_91, %dma_start3A_93, %dma_start3A_94] : memref<4x128x128xf32, #tpu.memory_space<vmem>> -> memref<1x128x128xf32, #tpu.memory_space<vmem>>
      %dma_start3A_96 = tpu.memref_squeeze %dma_start3A_95 : memref<1x128x128xf32, #tpu.memory_space<vmem>> -> memref<128x128xf32, #tpu.memory_space<vmem>>
      %dma_start3A_97 = arith.constant 0 : i32
      %dma_start3A_98 = tpu.memref_slice %arg4[%add3A_90, %dma_start3A_97] : memref<16384x128xf32, #tpu.memory_space<hbm>> -> memref<128x128xf32, #tpu.memory_space<hbm>>
      %dma_start3A_99 = arith.constant 0 : i32
      %dma_start3A_100 = tpu.memref_slice %arg4[%add3A_90, %dma_start3A_99] : memref<16384x128xf32, #tpu.memory_space<hbm>> -> memref<128x128xf32, #tpu.memory_space<hbm>>
      %dma_start3A_101 = arith.constant 0 : i32
      %dma_start3A_102 = arith.constant 0 : i32
      %dma_start3A_103 = tpu.memref_slice %arg6[%run_scoped3A_91, %dma_start3A_101, %dma_start3A_102] : memref<4x128x128xf32, #tpu.memory_space<vmem>> -> memref<1x128x128xf32, #tpu.memory_space<vmem>>
      %dma_start3A_104 = tpu.memref_squeeze %dma_start3A_103 : memref<1x128x128xf32, #tpu.memory_space<vmem>> -> memref<128x128xf32, #tpu.memory_space<vmem>>
      tpu.enqueue_dma source(%dma_start3A_104 : memref<128x128xf32, #tpu.memory_space<vmem>>) target(%dma_start3A_100 : memref<128x128xf32, #tpu.memory_space<hbm>>) target_semaphore(%run_scoped3A_92 : memref<!tpu.dma_semaphore, #tpu.memory_space<semaphore_mem>>)
      %dma_wait3A_105 = arith.constant 0 : i32
      %dma_wait3A_106 = arith.constant 0 : i32
      %dma_wait3A_107 = tpu.memref_slice %arg6[%run_scoped3A_91, %dma_wait3A_105, %dma_wait3A_106] : memref<4x128x128xf32, #tpu.memory_space<vmem>> -> memref<1x128x128xf32, #tpu.memory_space<vmem>>
      %dma_wait3A_108 = tpu.memref_squeeze %dma_wait3A_107 : memref<1x128x128xf32, #tpu.memory_space<vmem>> -> memref<128x128xf32, #tpu.memory_space<vmem>>
      %dma_wait3A_109 = arith.constant 0 : i32
      %dma_wait3A_110 = tpu.memref_slice %arg4[%add3A_90, %dma_wait3A_109] : memref<16384x128xf32, #tpu.memory_space<hbm>> -> memref<128x128xf32, #tpu.memory_space<hbm>>
      %dma_wait3A_111 = arith.constant 0 : i32
      %dma_wait3A_112 = tpu.memref_slice %arg4[%add3A_90, %dma_wait3A_111] : memref<16384x128xf32, #tpu.memory_space<hbm>> -> memref<128x128xf32, #tpu.memory_space<hbm>>
      %dma_wait3A_113 = arith.constant 0 : i32
      %dma_wait3A_114 = arith.constant 0 : i32
      %dma_wait3A_115 = tpu.memref_slice %arg6[%run_scoped3A_91, %dma_wait3A_113, %dma_wait3A_114] : memref<4x128x128xf32, #tpu.memory_space<vmem>> -> memref<1x128x128xf32, #tpu.memory_space<vmem>>
      %dma_wait3A_116 = tpu.memref_squeeze %dma_wait3A_115 : memref<1x128x128xf32, #tpu.memory_space<vmem>> -> memref<128x128xf32, #tpu.memory_space<vmem>>
      tpu.wait_dma2 semaphore(%run_scoped3A_92 : memref<!tpu.dma_semaphore, #tpu.memory_space<semaphore_mem>>) src(%dma_wait3A_116 : memref<128x128xf32, #tpu.memory_space<vmem>>) dst(%dma_wait3A_112 : memref<128x128xf32, #tpu.memory_space<hbm>>)
      tpu.yield
    }) : () -> ()
    return
  }
}

module attributes {stable_mosaic.version = 14 : i64} {
  func.func @_mlp_body(%arg0: i32, %arg1: memref<1x1x8192xi32, #tpu.memory_space<vmem>>, %arg2: memref<1x1x8192xi32, #tpu.memory_space<vmem>>, %arg3: memref<8192x128xf32, #tpu.memory_space<vmem>>, %arg4: memref<128x64xf32, #tpu.memory_space<vmem>>, %arg5: memref<64x64xf32, #tpu.memory_space<vmem>>, %arg6: memref<1x64xf32, #tpu.memory_space<vmem>>, %arg7: memref<64x64xf32, #tpu.memory_space<vmem>>, %arg8: memref<64x1xf32, #tpu.memory_space<vmem>>, %arg9: memref<64x8192xf32, #tpu.memory_space<vmem>>) attributes {dimension_semantics = [#tpu.dimension_semantics<arbitrary>], iteration_bounds = array<i64: 2>, scalar_prefetch = 0 : i64, scratch_operands = 0 : i64, tpu.core_type = #tpu.core_type<tc>, window_params = [{transform_indices = @transform_0, window_bounds = array<i64: 1, 1, 8192>}, {transform_indices = @transform_1, window_bounds = array<i64: 1, 1, 8192>}, {transform_indices = @transform_2, window_bounds = array<i64: 8192, 128>}, {pipeline_mode = #tpu.pipeline_mode<synchronous>, transform_indices = @transform_3, window_bounds = array<i64: 128, 64>}, {pipeline_mode = #tpu.pipeline_mode<synchronous>, transform_indices = @transform_4, window_bounds = array<i64: 64, 64>}, {pipeline_mode = #tpu.pipeline_mode<synchronous>, transform_indices = @transform_5, window_bounds = array<i64: 1, 64>}, {pipeline_mode = #tpu.pipeline_mode<synchronous>, transform_indices = @transform_6, window_bounds = array<i64: 64, 64>}, {pipeline_mode = #tpu.pipeline_mode<synchronous>, transform_indices = @transform_7, window_bounds = array<i64: 64, 1>}, {transform_indices = @transform_8, window_bounds = array<i64: 64, 8192>}]} {
    %get3A = arith.constant 0 : index
    %get3A_0 = arith.constant 0 : index
    %get3A_1 = arith.constant 0 : index
    %get3A_2 = vector.load %arg1[%get3A, %get3A_0, %get3A_1] : memref<1x1x8192xi32, #tpu.memory_space<vmem>>, vector<1x1x8192xi32>
    %reshape3A = vector.shape_cast %get3A_2 : vector<1x1x8192xi32> to vector<1x8192xi32>
    %get3A_3 = arith.constant 0 : index
    %get3A_4 = arith.constant 0 : index
    %get3A_5 = arith.constant 0 : index
    %get3A_6 = vector.load %arg2[%get3A_3, %get3A_4, %get3A_5] : memref<1x1x8192xi32, #tpu.memory_space<vmem>>, vector<1x1x8192xi32>
    %reshape3A_7 = vector.shape_cast %get3A_6 : vector<1x1x8192xi32> to vector<1x8192xi32>
    %iota3A = tpu.iota {dimensions = array<i32: 0>} : vector<64x8192xi32>
    %eq3A = vector.broadcast %reshape3A : vector<1x8192xi32> to vector<64x8192xi32>
    %eq3A_8 = arith.cmpi eq, %iota3A, %eq3A : vector<64x8192xi32>
    %eq3A_9 = vector.broadcast %reshape3A_7 : vector<1x8192xi32> to vector<64x8192xi32>
    %eq3A_10 = arith.cmpi eq, %iota3A, %eq3A_9 : vector<64x8192xi32>
    %or3A = arith.ori %eq3A_8, %eq3A_10 : vector<64x8192xi1>
    %convert_element_type3A = arith.extui %or3A : vector<64x8192xi1> to vector<64x8192xi32>
    %convert_element_type3A_11 = arith.sitofp %convert_element_type3A : vector<64x8192xi32> to vector<64x8192xf32>
    %get3A_12 = arith.constant 0 : index
    %get3A_13 = arith.constant 0 : index
    %get3A_14 = vector.load %arg3[%get3A_12, %get3A_13] : memref<8192x128xf32, #tpu.memory_space<vmem>>, vector<8192x128xf32>
    %get3A_15 = arith.constant 0 : index
    %get3A_16 = arith.constant 0 : index
    %get3A_17 = vector.load %arg4[%get3A_15, %get3A_16] : memref<128x64xf32, #tpu.memory_space<vmem>>, vector<128x64xf32>
    %dot_general3A = arith.constant dense<0.000000e+00> : vector<8192x64xf32>
    %dot_general3A_18 = tpu.matmul %get3A_14, %get3A_17, %dot_general3A {dimension_numbers = #tpu.dot_dimension_numbers<[1], [0], [0], [1], [0, 0, 1, 1], [], []>, transpose_lhs_hint = false} : vector<8192x128xf32>, vector<128x64xf32>, vector<8192x64xf32> -> vector<8192x64xf32>
    %get3A_19 = arith.constant 0 : index
    %get3A_20 = arith.constant 0 : index
    %get3A_21 = vector.load %arg5[%get3A_19, %get3A_20] : memref<64x64xf32, #tpu.memory_space<vmem>>, vector<64x64xf32>
    %dot_general3A_22 = arith.constant dense<0.000000e+00> : vector<8192x64xf32>
    %dot_general3A_23 = tpu.matmul %convert_element_type3A_11, %get3A_21, %dot_general3A_22 {dimension_numbers = #tpu.dot_dimension_numbers<[0], [0], [1], [1], [0, 1, 1, 1], [], []>, transpose_lhs_hint = false} : vector<64x8192xf32>, vector<64x64xf32>, vector<8192x64xf32> -> vector<8192x64xf32>
    %add3A = arith.addf %dot_general3A_18, %dot_general3A_23 : vector<8192x64xf32>
    %get3A_24 = arith.constant 0 : index
    %get3A_25 = arith.constant 0 : index
    %get3A_26 = vector.load %arg6[%get3A_24, %get3A_25] : memref<1x64xf32, #tpu.memory_space<vmem>>, vector<1x64xf32>
    %add3A_27 = vector.broadcast %get3A_26 : vector<1x64xf32> to vector<8192x64xf32>
    %add3A_28 = arith.addf %add3A, %add3A_27 : vector<8192x64xf32>
    %max3A = arith.constant 0.000000e+00 : f32
    %max3A_29 = vector.broadcast %max3A : f32 to vector<8192x64xf32>
    %max3A_30 = arith.maximumf %add3A_28, %max3A_29 : vector<8192x64xf32>
    %get3A_31 = arith.constant 0 : index
    %get3A_32 = arith.constant 0 : index
    %get3A_33 = vector.load %arg7[%get3A_31, %get3A_32] : memref<64x64xf32, #tpu.memory_space<vmem>>, vector<64x64xf32>
    %dot_general3A_34 = arith.constant dense<0.000000e+00> : vector<64x8192xf32>
    %dot_general3A_35 = tpu.matmul %get3A_33, %max3A_30, %dot_general3A_34 {dimension_numbers = #tpu.dot_dimension_numbers<[0], [1], [1], [0], [0, 1, 1, 0], [], []>, transpose_lhs_hint = false} : vector<64x64xf32>, vector<8192x64xf32>, vector<64x8192xf32> -> vector<64x8192xf32>
    %get3A_36 = arith.constant 0 : index
    %get3A_37 = arith.constant 0 : index
    %get3A_38 = vector.load %arg8[%get3A_36, %get3A_37] : memref<64x1xf32, #tpu.memory_space<vmem>>, vector<64x1xf32>
    %add3A_39 = vector.broadcast %get3A_38 : vector<64x1xf32> to vector<64x8192xf32>
    %add3A_40 = arith.addf %dot_general3A_35, %add3A_39 : vector<64x8192xf32>
    %swap3A = arith.constant 0 : index
    %swap3A_41 = arith.constant 0 : index
    %swap3A_42 = vector.load %arg9[%swap3A, %swap3A_41] : memref<64x8192xf32, #tpu.memory_space<vmem>>, vector<64x8192xf32>
    tpu.vector_store %arg9[%swap3A, %swap3A_41], %add3A_40 {strides = array<i32>} : memref<64x8192xf32, #tpu.memory_space<vmem>>, vector<64x8192xf32>,
    return
  }
  func.func @transform_0(%arg0: i32) -> (i32, i32, i32) {
    %c0_i32 = arith.constant 0 : i32
    %c0_i32_0 = arith.constant 0 : i32
    %c0_i32_1 = arith.constant 0 : i32
    return %arg0, %c0_i32, %c0_i32_0 : i32, i32, i32
  }
  func.func @transform_1(%arg0: i32) -> (i32, i32, i32) {
    %c0_i32 = arith.constant 0 : i32
    %c0_i32_0 = arith.constant 0 : i32
    %c0_i32_1 = arith.constant 0 : i32
    return %arg0, %c0_i32, %c0_i32_0 : i32, i32, i32
  }
  func.func @transform_2(%arg0: i32) -> (i32, i32) {
    %c0_i32 = arith.constant 0 : i32
    %c0_i32_0 = arith.constant 0 : i32
    return %arg0, %c0_i32 : i32, i32
  }
  func.func @transform_3(%arg0: i32) -> (i32, i32) {
    %c0_i32 = arith.constant 0 : i32
    %c0_i32_0 = arith.constant 0 : i32
    %c0_i32_1 = arith.constant 0 : i32
    return %c0_i32, %c0_i32_0 : i32, i32
  }
  func.func @transform_4(%arg0: i32) -> (i32, i32) {
    %c0_i32 = arith.constant 0 : i32
    %c0_i32_0 = arith.constant 0 : i32
    %c0_i32_1 = arith.constant 0 : i32
    return %c0_i32, %c0_i32_0 : i32, i32
  }
  func.func @transform_5(%arg0: i32) -> (i32, i32) {
    %c0_i32 = arith.constant 0 : i32
    %c0_i32_0 = arith.constant 0 : i32
    %c0_i32_1 = arith.constant 0 : i32
    return %c0_i32, %c0_i32_0 : i32, i32
  }
  func.func @transform_6(%arg0: i32) -> (i32, i32) {
    %c0_i32 = arith.constant 0 : i32
    %c0_i32_0 = arith.constant 0 : i32
    %c0_i32_1 = arith.constant 0 : i32
    return %c0_i32, %c0_i32_0 : i32, i32
  }
  func.func @transform_7(%arg0: i32) -> (i32, i32) {
    %c0_i32 = arith.constant 0 : i32
    %c0_i32_0 = arith.constant 0 : i32
    %c0_i32_1 = arith.constant 0 : i32
    return %c0_i32, %c0_i32_0 : i32, i32
  }
  func.func @transform_8(%arg0: i32) -> (i32, i32) {
    %c0_i32 = arith.constant 0 : i32
    %c0_i32_0 = arith.constant 0 : i32
    return %c0_i32, %arg0 : i32, i32
  }
}

</mosaic_0001>

<sc_bundles>
// kernel: kernel.4.cloned.1.call-start
scs
__scs_entry_jumppad:
0x0: {  	(pc) =	sbr.rel $0x88, $3  }
0x1: {  	(tag) =	ssettag $0x0;
	lr =	simm.s32 $0x1  }
0x2: {  	[smem:$0x3F99] =	sst lr;
	_ =	strace $0xD0000000  }
0x3: {  	_ = 	snop  }
0x4: {  	_ = 	snop  }
0x5: {  	_ = 	snop  }
0x6: {  	_ = 	snop  }
0x7: {  	_ = 	snop  }
__scs_overlays_trampoline_lowered:
0x8: {  	[smem:$0x3FA8] =	sst s0  }
0x9: {  	[smem:$0x3FA9] =	sst s1  }
0xa: {  	[smem:$0x3FAA] =	sst s2  }
0xb: {  	[smem:$0x3FAB] =	sst s3  }
0xc: {  	[smem:$0x3FAC] =	sst s4  }
0xd: {  	[smem:$0x3FAD] =	sst s5  }
0xe: {  	[smem:$0x3FAE] =	sst s6  }
0xf: {  	[smem:$0x3FAF] =	sst s7  }
0x10: {  	[smem:$0x3FB0] =	sst s8  }
0x11: {  	[smem:$0x3FB1] =	sst s9;
	s0 =	simm.s32 @!p0 $0x0  }
0x12: {  	s1 =	sld [smem:$0x3F97];
	s0 =	simm.s32 @p0 $0x1  }
0x13: {  	[smem:$0x3FB2] =	sst s0;
	s0 =	simm.s32 @!p1 $0x0  }
0x14: {  	s2 =	sld [smem:$0x3F96];
	s0 =	simm.s32 @p1 $0x1  }
0x15: {  	[smem:$0x3FB3] =	sst s0;
	s0 =	simm.s32 @!p2 $0x0  }
0x16: {  	s3 =	sld [smem:$0x3FDB];
	s0 =	simm.s32 @p2 $0x1  }
0x17: {  	s4 =	simm.s32 $0x1BF5;
	[smem:$0x3FB5] =	sst s0  }
0x18: {  	s0 =	sld [smem:$0x3F98];
	_ =	swait.ge [sflag:s4], $0x0  }
0x19: {  	s7 =	sld [smem:$0x3F99]  }
0x1a: {  	s8 =	sadd.s32 $0xFFFFE003, lr  }
0x1b: {  	s9 =	sadd.s32 $0xFFFFFEF7, lr;
	s5 =	simm.s32 $0xFFFFFFFF;
	p2 =	slt.u32 s8, $0xFFFFF086  }
0x1c: {  	p1 =	slt.u32 s9, $0xF7A;
	s5 =	simm.s32 @!p2 $0x0  }
0x1d: {  	s5 =	simm.s32 @p1 $0x1;
	p0 =	seq.s32 s7, s2  }
0x1e: {  	s7 =	smul.u32 @!p0 $0xF7A, s2;
	p2 =	seq.s32 @!p0 s5, $0x0  }
0x1f: {  	s9 =	smul.u32 $0xF7A, s1;
	s8 =	simm.s32 @!p0 $0x1BF5;
	p2 =	por !p2, p0  }
0x20: {  	[sflag:s8] =	ssyncset.s32 @!p0 $0xFFFFF086;
	s6 =	sadd.s32 @!p0 s3, s7;
	s7 =	simm.s32 @!p0 $0x108  }
0x21: {  	s3 =	sadd.s32 s3, s9;
	s6 =	sadd.s32 @!p0 $0x88, s6;
	s7 =	simm.s32 @p2 $0x1082  }
0x22: {  	[simem:s7], [sflag:s8] =	dma.local @!p0 [hbm:s6], $0xF7A  }
0x23: {  	s9 =	sor.u32 $0xD0000000, s2;
	s6 =	simm.s32 $0x108;
	_ =	swait.ge @!p0 [sflag:s8], $0x0  }
0x24: {  	s3 =	sadd.s32 $0x88, s3;
	s6 =	simm.s32 @!p1 $0x1082;
	[sflag:s4] =	ssyncset.s32 $0xFFFFF086  }
0x25: {  	[simem:s6], [sflag:s4] =	dma.local [hbm:s3], $0xF7A  }
0x26: {  	[smem:$0x3F99] =	sst s1;
	(tag) =	ssettag s2;
	_ =	strace s9  }
0x27: {  	s1 =	sld [smem:$0x3FA9]  }
0x28: {  	s2 =	sld [smem:$0x3FAA]  }
0x29: {  	s4 =	sld [smem:$0x3FAC]  }
0x2a: {  	p0 =	seq.s32 s5, $0x0;
	s5 =	sld [smem:$0x3FAD]  }
0x2b: {  	s6 =	sld [smem:$0x3FAE]  }
0x2c: {  	s7 =	sld [smem:$0x3FAF]  }
0x2d: {  	s3 =	simm.s32 $0x108;
	s8 =	sld [smem:$0x3FB0]  }
0x2e: {  	s3 =	simm.s32 @!p0 $0x1082;
	s9 =	sld [smem:$0x3FB1]  }
0x2f: {  	lr =	sadd.s32 s0, s3;
	s0 =	sld [smem:$0x3FA8]  }
0x30: {  	s3 =	sld [smem:$0x3FAB]  }
0x31: {  	[smem:$0x3FB4] =	sst s10  }
0x32: {  	s10 =	sld [smem:$0x3FB2];
	_ =	sdelay $0x3  }
0x33: {  	p0 =	seq.s32 s10, $0x1;
	s10 =	sld [smem:$0x3FB4];
	_ =	sdelay $0x3  }
0x34: {  	[smem:$0x3FB4] =	sst s10  }
0x35: {  	s10 =	sld [smem:$0x3FB3];
	_ =	sdelay $0x3  }
0x36: {  	p1 =	seq.s32 s10, $0x1;
	s10 =	sld [smem:$0x3FB4];
	_ =	sdelay $0x3  }
0x37: {  	[smem:$0x3FB4] =	sst s10  }
0x38: {  	s10 =	sld [smem:$0x3FB5]  }
0x39: {  	_ = 	snop;
	(pc) =	sbr.ind lr, $3  }
0x3a: {  	_ = 	snop  }
0x3b: {  	_ = 	snop  }
0x3c: {  	p2 =	seq.s32 s10, $0x1;
	s10 =	sld [smem:$0x3FB4]  }
0x3d: {  	_ =	shalt  }
0x3e: {  	_ =	shalt  }
0x3f: {  	_ =	shalt  }
0x40: {  	_ =	shalt  }
0x41: {  	_ =	shalt  }
0x42: {  	_ =	shalt  }
0x43: {  	_ =	shalt  }
0x44: {  	_ =	shalt  }
0x45: {  	_ =	shalt  }
0x46: {  	_ =	shalt  }
0x47: {  	_ =	shalt  }
0x48: {  	_ =	shalt  }
0x49: {  	_ =	shalt  }
0x4a: {  	_ =	shalt  }
0x4b: {  	_ =	shalt  }
0x4c: {  	_ =	shalt  }
0x4d: {  	_ =	shalt  }
0x4e: {  	_ =	shalt  }
0x4f: {  	_ =	shalt  }
0x50: {  	_ =	shalt  }
0x51: {  	_ =	shalt  }
0x52: {  	_ =	shalt  }
0x53: {  	_ =	shalt  }
0x54: {  	_ =	shalt  }
0x55: {  	_ =	shalt  }
0x56: {  	_ =	shalt  }
0x57: {  	_ =	shalt  }
0x58: {  	_ =	shalt  }
0x59: {  	_ =	shalt  }
0x5a: {  	_ =	shalt  }
0x5b: {  	_ =	shalt  }
0x5c: {  	_ =	shalt  }
0x5d: {  	_ =	shalt  }
0x5e: {  	_ =	shalt  }
0x5f: {  	_ =	shalt  }
0x60: {  	_ =	shalt  }
0x61: {  	_ =	shalt  }
0x62: {  	_ =	shalt  }
0x63: {  	_ =	shalt  }
0x64: {  	_ =	shalt  }
0x65: {  	_ =	shalt  }
0x66: {  	_ =	shalt  }
0x67: {  	_ =	shalt  }
0x68: {  	_ =	shalt  }
0x69: {  	_ =	shalt  }
0x6a: {  	_ =	shalt  }
0x6b: {  	_ =	shalt  }
0x6c: {  	_ =	shalt  }
0x6d: {  	_ =	shalt  }
0x6e: {  	_ =	shalt  }
0x6f: {  	_ =	shalt  }
0x70: {  	_ =	shalt  }
0x71: {  	_ =	shalt  }
0x72: {  	_ =	shalt  }
0x73: {  	_ =	shalt  }
0x74: {  	_ =	shalt  }
0x75: {  	_ =	shalt  }
0x76: {  	_ =	shalt  }
0x77: {  	_ =	shalt  }
0x78: {  	_ =	shalt  }
0x79: {  	_ =	shalt  }
0x7a: {  	_ =	shalt  }
0x7b: {  	_ =	shalt  }
0x7c: {  	_ =	shalt  }
0x7d: {  	_ =	shalt  }
0x7e: {  	_ =	shalt  }
0x7f: {  	_ =	shalt  }
0x80: {  	_ =	shalt  }
0x81: {  	_ =	shalt  }
0x82: {  	_ =	shalt  }
0x83: {  	_ =	shalt  }
0x84: {  	_ =	shalt  }
0x85: {  	_ =	shalt  }
0x86: {  	_ =	shalt  }
0x87: {  	_ =	shalt  }
.Lfunc_end0:
.L_simem_size_0:
called_computation_lowered:
.L_overlay_start_0:
0x88: {  	s2 =	sld [smem:$0x3FD9]  }
0x89: {  	s3 =	sld [smem:$0x3FFE];
	_ =	sdelay $0x1  }
0x8a: {  	s1 =	srdreg.scid  }
0x8b: {  	s0 =	sand.u32 $0x1, s1  }
0x8c: {  	s17 =	sshll.u32 s0, $0xA;
	s2 =	sadd.s32 s3, s2  }
0x8d: {  	s2 =	sadd.s32 s2, s17  }
0x8e: {  	[smem:$0x3FC0] =	sst s2  }
0x8f: {  	_ = 	snop  }
0x90: {  	s2 =	sld [smem:$0x3FC9]  }
0x91: {  	s18 =	sld [smem:$0x3FD0];
	(tm) =	ssettm $0x1  }
0x92: {  	s4 =	sld [smem:$0x3FFB];
	_ =	sdelay $0x3  }
0x93: {  	_ =	strace s4  }
0x94: {  	s4 =	sld [smem:$0x3FFC];
	_ =	sdelay $0x3  }
0x95: {  	_ =	strace s4  }
0x96: {  	s4 =	sld [smem:$0x3FFD];
	_ =	sdelay $0x3  }
0x97: {  	_ =	strace s4  }
0x98: {  	_ =	strace $0x8FFFFFFF  }
0x99: {  	s19 =	sld [smem:$0x3FDB];
	_ =	sdelay $0x1  }
0x9a: {  	s5 =	simm.s32 $_scs_section_size  }
0x9b: {  	s6 =	simm.s32 $_size__tile_overlayer_lowered;
	s7 =	simm.s32 $_tile_overlayer_lowered  }
0x9c: {  	s22 =	simm.s32 $0x1BFF;
	s21 =	sshll.u32 s7, $0x1;
	s4 =	sadd.s32 s5, s19  }
0x9d: {  	s8 =	simm.s32 $0x0;
	s20 =	sshll.u32 s6, $0x1;
	s6 =	sadd.s32 s21, s4  }
0x9e: {  	[timem:s8], [sflag:s22] =	dma.local [hbm:s6], s20  }
0x9f: {  	_ =	swait.ge [sflag:s22], s20  }
0xa0: {  	s5 =	ssub.s32 $0x0, s20;
	[sflag:s22] =	ssyncset.done $0x0  }
0xa1: {  	[sflag:s22] =	ssyncadd.s32 s5;
	_ =	sdelay $0x1  }
0xa2: {  	s23 =	simm.s32 $0x1B8B  }
0xa3: {  	_ =	swait.ge [sflag:s23], $0x1  }
0xa4: {  	[sflag:s23] =	ssyncset.done $0x0  }
0xa5: {  	s25 =	simm.s32 $0x1B8E;
	s24 =	sld [smem:$0x3FFE];
	[sflag:s23] =	ssyncadd.s32 $0xFFFFFFFF  }
0xa6: {  	s26 =	simm.s32 $execute0_lowered;
	[smem:$0x3FD2] =	sst s25  }
0xa7: {  	s6 =	sshll.u32 s26, $0x1;
	_ =	strace $0x80000046;
	[dreg:$0x1] =	wrdreg $0xFFFFFFFF  }
0xa8: {  	s28 =	simm.s32 $_size_execute0_lowered;
	s4 =	sadd.s32 s4, s6;
	[dreg:$0x0] =	wrdreg $0x0  }
0xa9: {  	s6 =	sshll.u32 s28, $0x1;
	[dreg:$0x2] =	wrdreg s4  }
0xaa: {  	[dreg:$0x3] =	wrdreg s6  }
0xab: {  	[dreg:$0x4] =	wrdreg $0xC0  }
0xac: {  	_ =	task [dreg:s8], $0x5FFFF  }
0xad: {  	[dreg:$0x1] =	wrdreg $0xFFFFFFFF  }
0xae: {  	[dreg:$0x0] =	wrdreg $0x60  }
0xaf: {  	[dreg:$0x2] =	wrdreg s18  }
0xb0: {  	[dreg:$0x3] =	wrdreg s2  }
0xb1: {  	[dreg:$0x4] =	wrdreg s24  }
0xb2: {  	[dreg:$0x5] =	wrdreg $0x9  }
0xb3: {  	_ =	task.clear_ibuf [dreg:s8], $0x6FFFF;
	_ =	strace $0x90000046  }
0xb4: {  	s29 =	simm.s32 $0x9;
	_ =	strace $0x80000048  }
0xb5: {  	_ =	swait.ge [sflag:s29], $0x1  }
0xb6: {  	[sflag:s29] =	ssyncadd.s32 $0xFFFFFFFF  }
0xb7: {  	_ =	strace $0x90000048  }
0xb8: {  	_ =	sfence  }
0xb9: {  	s30 =	sld [smem:$0x0];
	_ =	sdelay $0x2  }
0xba: {  	s31 =	sshll.u32 s1, $0xD;
	s1 =	sshrl.u32 s1, $0x2  }
0xbb: {  	s3 =	sand.u32 $0x4000, s31;
	s1 =	sadd.s32 s1, s30  }
0xbc: {  	s0 =	sor.u32 s3, s0;
	s1 =	sshll.u32 s1, $0x11  }
0xbd: {  	s0 =	sor.u32 s1, s0  }
0xbe: {  	s0 =	sadd.s32 $0x8F2B, s0  }
0xbf: {  	[sflag:s0] =	ssyncadd.remote.s32 $0x1  }
0xc0: {  	_ =	sfence.sel $0xFFFF  }
0xc1: {  	[dreg:$0x0] =	wrdreg $0xFFFFFFFF;
	(pc) =	sbr.abs _section_cstart, $3  }
0xc2: {  	[dreg:$0x1] =	wrdreg $0xFFFFFFFF  }
0xc3: {  	_ =	task.clear_ibuf [dreg:s8], $0x2FFFF;
	_ =	strace $0x9FFFFFFF  }
0xc4: {  	(tm) =	ssettm $0x7FFFFFFF  }
0xc5: {  	_ =	shalt  }
tec
execute0_lowered:
.L_overlay_start_1:
0x0: {  	(tag) =	ssettag $0x1  }
0x1: {  	s1 =	rddreg [dreg:$0x0];
	s2 =	srdreg.scid  }
0x2: {  	s4 =	rddreg [dreg:$0x1];
	s0 =	stileid.u32;
	s18 =	sand.u32 $0x1, s2  }
0x3: {  	s10 =	rddreg [dreg:$0x2];
	s5 =	sshll.u32 s0, $0xA;
	s6 =	sshll.u32 s18, $0x9  }
0x4: {  	s3 =	simm.s32 $0x0;
	s2 =	rddreg [dreg:$0x3];
	s11 =	sor.u32 s6, s5  }
0x5: {  	[smem:$0x7FF] =	sst s3;
	s5 =	sshrl.u32 s11, $0x3  }
0x6: {  	_ =	strace $0x80000047;
	s5 =	sadd.s32 s4, s5;
	s4 =	simm.s32 $0x3  }
0x7: {  	[tilespmem:s3], [sflag:$0x3] =	stream.linear.gather [hbm4b:s5+s3], $0x200, $0x38;
	[tilespmem:$0x10200] =	vst v63  }
0x8: {  	_ =	swait.ge [sflag:s4], $0x200  }
0x9: {  	[sflag:s4] =	ssyncset.done $0x0  }
0xa: {  	s7 =	simm.s32 $0x200;
	s6 =	simm.s32 $0x80;
	[sflag:s4] =	ssyncadd.s32 $0xFFFFFE00  }
0xb: {  	[tilespmem:s7], [sflag:$0x1] =	stream.indirect.gather [hbm4b:s1+s6], $0x80, s3, s6, $0xb8;
	[tilespmem:$0x10200] =	vst v63  }
0xc: {  	s8 =	simm.s32 $0x4200;
	s9 =	simm.s32 $0x1  }
0xd: {  	[tilespmem:s8], [sflag:$0x2] =	stream.indirect.gather [hbm4b:s1+s6], $0x80, s6, s6, $0xb8;
	[tilespmem:$0x10200] =	vst v63  }
0xe: {  	s11 =	sshll.u32 s11, $0x4;
	_ =	swait.ge [sflag:s9], $0x4000  }
0xf: {  	s19 =	sadd.s32 s11, s10;
	[sflag:s9] =	ssyncset.done $0x0  }
0x10: {  	s10 =	simm.s32 $0x100;
	s11 =	simm.s32 $0x8200;
	[sflag:s9] =	ssyncadd.s32 $0xFFFFC000  }
0x11: {  	[tilespmem:s11], [sflag:$0x1] =	stream.indirect.gather [hbm4b:s1+s6], $0x80, s10, s6, $0xb8;
	[tilespmem:$0x10200] =	vst v63  }
0x12: {  	s12 =	sadd.s32 $0x1200, s19  }
0x13: {  	[hbm4b:s12+s3] =	stream.linear.scatter [tilespmem:s7], [sflag:$0x3], $0x4000, $0x38;
	[tilespmem:$0x10200] =	vst v63  }
0x14: {  	_ =	swait.ge [sflag:s4], $0x4000  }
0x15: {  	[sflag:s4] =	ssyncset.done $0x0  }
0x16: {  	s13 =	simm.s32 $0x2;
	[sflag:s4] =	ssyncadd.s32 $0xFFFFC000  }
0x17: {  	_ =	swait.ge [sflag:s13], $0x4000  }
0x18: {  	[sflag:s13] =	ssyncset.done $0x0  }
0x19: {  	s14 =	simm.s32 $0x180;
	s15 =	simm.s32 $0xC200;
	[sflag:s13] =	ssyncadd.s32 $0xFFFFC000  }
0x1a: {  	[tilespmem:s15], [sflag:$0x2] =	stream.indirect.gather [hbm4b:s1+s6], $0x80, s14, s6, $0xb8;
	[tilespmem:$0x10200] =	vst v63  }
0x1b: {  	s16 =	sadd.s32 $0x1A00, s19  }
0x1c: {  	[hbm4b:s16+s3] =	stream.linear.scatter [tilespmem:s8], [sflag:$0x3], $0x4000, $0x38;
	[tilespmem:$0x10200] =	vst v63  }
0x1d: {  	_ =	swait.ge [sflag:s4], $0x4000  }
0x1e: {  	[sflag:s4] =	ssyncset.done $0x0  }
0x1f: {  	[sflag:s4] =	ssyncadd.s32 $0xFFFFC000  }
0x20: {  	_ =	swait.ge [sflag:s9], $0x4000  }
0x21: {  	[sflag:s9] =	ssyncset.done $0x0  }
0x22: {  	s18 =	ssub.s32 $0x2, s18;
	s17 =	sadd.s32 $0x2200, s19;
	[sflag:s9] =	ssyncadd.s32 $0xFFFFC000  }
0x23: {  	[hbm4b:s17+s3] =	stream.linear.scatter [tilespmem:s11], [sflag:$0x3], $0x4000, $0x38;
	[tilespmem:$0x10200] =	vst v63  }
0x24: {  	s20 =	sshrl.u32 s18, $0x1;
	_ =	swait.ge [sflag:s4], $0x4000  }
0x25: {  	s20 =	ssub.s32 s18, s20;
	[sflag:s4] =	ssyncset.done $0x0  }
0x26: {  	s31 =	smax.u32 s20, $0x1;
	[sflag:s4] =	ssyncadd.s32 $0xFFFFC000  }
0x27: {  	p0 =	sne.s32 s31, $0x1;
	_ =	swait.ge [sflag:s13], $0x4000  }
.Ltmp0:
0x28: {  	[sflag:s13] =	ssyncset.done $0x0;
	(pc) =	sbr.rel @!p0 .LBB2_2-.Ltmp0, $4  }
0x29: {  	s18 =	sadd.s32 $0x2A00, s19;
	[sflag:s13] =	ssyncadd.s32 $0xFFFFC000  }
0x2a: {  	[hbm4b:s18+s3] =	stream.linear.scatter [tilespmem:s15], [sflag:$0x3], $0x4000, $0x38;
	[tilespmem:$0x10200] =	vst v63  }
0x2b: {  	_ =	swait.ge [sflag:s4], $0x4000  }
0x2c: {  	s19 =	sadd.s32 $0xFFFFFFFF, s31;
	[sflag:s4] =	ssyncset.done $0x0  }
.LBB2_1:
0x2d: {  	p0 =	sne.s32 s19, $0x1;
	s19 =	sadd.s32 $0xFFFFFFFF, s19;
	[sflag:s4] =	ssyncadd.s32 $0xFFFFC000  }
0x2e: {  	[tilespmem:s3], [sflag:$0x3] =	stream.linear.gather [hbm4b:s5+s3], $0x200, $0x38;
	[tilespmem:$0x10200] =	vst v63  }
0x2f: {  	_ =	swait.ge [sflag:s4], $0x200  }
0x30: {  	[sflag:s4] =	ssyncset.done $0x0  }
0x31: {  	[sflag:s4] =	ssyncadd.s32 $0xFFFFFE00  }
0x32: {  	[tilespmem:s7], [sflag:$0x1] =	stream.indirect.gather [hbm4b:s1+s6], $0x80, s3, s6, $0xb8;
	[tilespmem:$0x10200] =	vst v63  }
0x33: {  	_ = 	snop  }
0x34: {  	[tilespmem:s8], [sflag:$0x2] =	stream.indirect.gather [hbm4b:s1+s6], $0x80, s6, s6, $0xb8;
	[tilespmem:$0x10200] =	vst v63  }
0x35: {  	_ =	swait.ge [sflag:s9], $0x4000  }
0x36: {  	[sflag:s9] =	ssyncset.done $0x0  }
0x37: {  	[sflag:s9] =	ssyncadd.s32 $0xFFFFC000  }
0x38: {  	[tilespmem:s11], [sflag:$0x1] =	stream.indirect.gather [hbm4b:s1+s6], $0x80, s10, s6, $0xb8;
	[tilespmem:$0x10200] =	vst v63  }
0x39: {  	_ = 	snop  }
0x3a: {  	[hbm4b:s12+s3] =	stream.linear.scatter [tilespmem:s7], [sflag:$0x3], $0x4000, $0x38;
	[tilespmem:$0x10200] =	vst v63  }
0x3b: {  	_ =	swait.ge [sflag:s4], $0x4000  }
0x3c: {  	[sflag:s4] =	ssyncset.done $0x0  }
0x3d: {  	[sflag:s4] =	ssyncadd.s32 $0xFFFFC000  }
0x3e: {  	_ =	swait.ge [sflag:s13], $0x4000  }
0x3f: {  	[sflag:s13] =	ssyncset.done $0x0  }
0x40: {  	[sflag:s13] =	ssyncadd.s32 $0xFFFFC000  }
0x41: {  	[tilespmem:s15], [sflag:$0x2] =	stream.indirect.gather [hbm4b:s1+s6], $0x80, s14, s6, $0xb8;
	[tilespmem:$0x10200] =	vst v63  }
0x42: {  	_ = 	snop  }
0x43: {  	[hbm4b:s16+s3] =	stream.linear.scatter [tilespmem:s8], [sflag:$0x3], $0x4000, $0x38;
	[tilespmem:$0x10200] =	vst v63  }
0x44: {  	_ =	swait.ge [sflag:s4], $0x4000  }
0x45: {  	[sflag:s4] =	ssyncset.done $0x0  }
0x46: {  	[sflag:s4] =	ssyncadd.s32 $0xFFFFC000  }
0x47: {  	_ =	swait.ge [sflag:s9], $0x4000  }
0x48: {  	[sflag:s9] =	ssyncset.done $0x0  }
0x49: {  	[sflag:s9] =	ssyncadd.s32 $0xFFFFC000  }
0x4a: {  	[hbm4b:s17+s3] =	stream.linear.scatter [tilespmem:s11], [sflag:$0x3], $0x4000, $0x38;
	[tilespmem:$0x10200] =	vst v63  }
0x4b: {  	_ =	swait.ge [sflag:s4], $0x4000  }
0x4c: {  	[sflag:s4] =	ssyncset.done $0x0  }
0x4d: {  	[sflag:s4] =	ssyncadd.s32 $0xFFFFC000  }
0x4e: {  	_ =	swait.ge [sflag:s13], $0x4000  }
.Ltmp1:
0x4f: {  	[sflag:s13] =	ssyncset.done $0x0;
	(pc) =	sbr.rel @p0 .LBB2_1-.Ltmp1, $4  }
0x50: {  	[sflag:s13] =	ssyncadd.s32 $0xFFFFC000  }
0x51: {  	[hbm4b:s18+s3] =	stream.linear.scatter [tilespmem:s15], [sflag:$0x3], $0x4000, $0x38;
	[tilespmem:$0x10200] =	vst v63  }
0x52: {  	_ =	swait.ge [sflag:s4], $0x4000  }
0x53: {  	[sflag:s4] =	ssyncset.done $0x0  }
.LBB2_2:
0x54: {  	[sflag:s4] =	ssyncadd.s32 $0xFFFFC000  }
0x55: {  	_ =	sfence.sel $0x180000  }
0x56: {  	[bflag:$0x0] =	sbarrier.arrive $0xFFFF  }
0x57: {  	p0 =	sne.s32 s0, $0x0;
	_ =	strace $0x90000047  }
0x58: {  	s0 =	sadd.s32 @!p0 $0x100000, s2;
	[bflag:$0x2] =	sbarrier.arrive $0xFFFF  }
0x59: {  	[sflag:s0] =	ssyncadd.tile.s32 @!p0 $0x1;
	_ =	shalt  }
.Lfunc_end2:
_tile_overlayer_lowered:
.L_overlay_start_2:
0x5a: {  	(tag) =	ssettag $0x2  }
0x5b: {  	s0 =	rddreg [dreg:$0x0];
	s2 =	stileid.u32  }
0x5c: {  	s1 =	rddreg [dreg:$0x1];
	p0 =	sne.s32 s2, $0x0  }
0x5d: {  	s3 =	rddreg [dreg:$0x2];
	[bflag:$0x3] =	sbarrier.arrive $0xFFFF;
	s2 =	simm.s32 @!p0 $0x1C03  }
0x5e: {  	[timem:s3], [sflag:s2] =	dma.local @!p0 [hbm:s0], s1  }
0x5f: {  	s0 =	simm.s32 @!p0 $0x3  }
0x60: {  	_ =	swait.ge @!p0 [sflag:s0], s1  }
0x61: {  	s1 =	ssub.s32 @!p0 $0x0, s1;
	[sflag:s0] =	ssyncset.done @!p0 $0x0  }
0x62: {  	[sflag:s0] =	ssyncadd.s32 @!p0 s1  }
0x63: {  	[bflag:$0x3] =	sbarrier.arrive $0xFFFF  }
0x64: {  	_ =	shalt  }

</sc_bundles>
